<compile_context>
chip_gen: v7x
topology: tpu7x:2x2x1
jax: 0.10.2.dev20260603
libtpu: 0.0.44.dev20260713+nightly
codegen_flags: <defaults>
</compile_context>

<pallas_src>
import functools

import jax
import jax.numpy as jnp
from jax import lax
from jax.experimental import pallas as pl
from jax.experimental.pallas import tpu as pltpu
from jax.experimental.pallas import tpu_sc as plsc

_NC = 2
_NS = 16
_NW = _NC * _NS
_R = 256
_G = _R // 16


@functools.partial(jax.jit, static_argnums=(3, 4))
def _sc_proj(inputs, low16, invw16, n, c):
    cols_per_w = n // _NW
    n_chunks = cols_per_w // _R

    mesh = plsc.VectorSubcoreMesh(core_axis_name="c", subcore_axis_name="s")

    @functools.partial(
        pl.kernel,
        mesh=mesh,
        out_type=jax.ShapeDtypeStruct((c, n), jnp.float32),
        compiler_params=pltpu.CompilerParams(needs_layout_passes=False),
        scratch_types=[
            pltpu.VMEM((cols_per_w,), jnp.float32),
            pltpu.VMEM((c, _R), jnp.float32),
            pltpu.VMEM((c, _R), jnp.float32),
            pltpu.VMEM((_R,), jnp.int32),
            pltpu.VMEM((_R,), jnp.int32),
            pltpu.VMEM((16,), jnp.float32),
            pltpu.VMEM((16,), jnp.float32),
            pltpu.SemaphoreType.DMA,
            pltpu.SemaphoreType.DMA,
            pltpu.SemaphoreType.DMA,
        ],
    )
    def k(in_hbm, low_hbm, invw_hbm, out_hbm,
          in_v, out_a, out_b, idx_a, idx_b, low_v, invw_v,
          sem_a, sem_b, sem_in):
        wid = lax.axis_index("s") * _NC + lax.axis_index("c")
        col0 = wid * cols_per_w

        in_copy = pltpu.async_copy(
            in_hbm.at[pl.ds(col0, cols_per_w)], in_v, sem_in)
        pltpu.sync_copy(low_hbm, low_v)
        pltpu.sync_copy(invw_hbm, invw_v)
        low = low_v[...]
        invw = invw_v[...]
        lane = lax.iota(jnp.int32, 16)
        zeros16 = jnp.zeros((16,), jnp.float32)

        outs = (out_a, out_b)
        idxs = (idx_a, idx_b)
        sems = (sem_a, sem_b)

        def memset_body(j, carry):
            f = j * 16 + lane
            r = lax.shift_right_logical(f, _R.bit_length() - 1)
            q = lax.bitwise_and(f, _R - 1)
            plsc.store_scatter(out_a, [r, q], zeros16)
            plsc.store_scatter(out_b, [r, q], zeros16)
            return carry
        lax.fori_loop(0, c * _R // 16, memset_body, 0)
        in_copy.wait()

        def compute_chunk(chunk, b, rezero):
            cbase = col0 + chunk * _R

            def grp(j, carry):
                cols = j * 16 + lane
                if rezero:
                    oi = idxs[b][pl.ds(j * 16, 16)]
                    plsc.store_scatter(outs[b], [oi, cols], zeros16)
                    plsc.store_scatter(outs[b], [oi + 1, cols], zeros16)
                x = in_v[pl.ds(chunk * _R + j * 16, 16)]
                u = (x - low) * invw
                i = u.astype(jnp.int32)
                p = u - i.astype(jnp.float32)
                plsc.store_scatter(outs[b], [i, cols], 1.0 - p)
                plsc.store_scatter(outs[b], [i + 1, cols], p)
                idxs[b][pl.ds(j * 16, 16)] = i
                return carry
            lax.fori_loop(0, _G, grp, 0)
            pltpu.async_copy(outs[b], out_hbm.at[:, pl.ds(cbase, _R)], sems[b])

        compute_chunk(0, 0, False)
        compute_chunk(1, 1, False)

        def main_body(jj, carry):
            for b in range(2):
                pltpu.make_async_copy(
                    outs[b], out_hbm.at[:, pl.ds(0, _R)], sems[b]).wait()
                compute_chunk(2 * jj + b, b, True)
            return carry
        lax.fori_loop(1, n_chunks // 2, main_body, 0)

        pltpu.make_async_copy(out_a, out_hbm.at[:, pl.ds(0, _R)], sem_a).wait()
        pltpu.make_async_copy(out_b, out_hbm.at[:, pl.ds(0, _R)], sem_b).wait()

    return k(inputs, low16, invw16)


def kernel(inputs, centers):
    n = inputs.shape[0]
    c = centers.shape[0]
    low16 = jnp.broadcast_to(centers[0], (16,)).astype(jnp.float32)
    invw16 = jnp.broadcast_to(
        1.0 / (centers[1] - centers[0]), (16,)).astype(jnp.float32)
    return _sc_proj(inputs, low16, invw16, n, c).T

# --- scband reference (transcript-rebuilt; emitter-appended) ---
"""Pipeline reference for scband-proj-transform-13228499271728 (READ-ONLY COPY).

The authoritative reference and input builder live on the scoring server;
editing this copy changes nothing except your own understanding.
"""

import jax, jax.numpy as jnp
import numpy as np

N = 1048576
NUM_CENTERS = 65


def setup_inputs(seed: int = 0) -> dict:
    key = jax.random.key(seed)
    # targets uniform in [0, 1); centers span [0, 1] with width 1/64, so i+1 <= 64 is always in range
    inputs = jax.random.uniform(key, (N,), dtype=jnp.float32)
    centers = jnp.arange(NUM_CENTERS, dtype=jnp.float32) / 64.0  # non-trainable bin centers
    return {"inputs": inputs, "centers": centers}


def reference(inputs, centers):
    w = centers[1] - centers[0]
    low = centers[0]
    # bin index of the left neighbor center
    i = jnp.floor_divide(inputs - low, w).astype(jnp.int32)
    # gather the left center (tf.gather_nd on expanded dims == plain row gather)
    m = jnp.take(centers, i, axis=0)
    p = (inputs - m) / w
    n = inputs.shape[0]
    inds = jnp.arange(n, dtype=jnp.int32)
    # tf.scatter_nd accumulates; (row, i) and (row, i+1) are distinct so add == set here,
    # but we use .add to match tf.scatter_nd semantics exactly
    out = jnp.zeros((n, centers.shape[0]), dtype=inputs.dtype)
    out = out.at[inds, i].add(1.0 - p)
    out = out.at[inds, i + 1].add(p)
    return out

if __name__ == "__main__":
    import jax
    _d = setup_inputs()
    print(jax.jit(kernel)(*tuple(_d.values())))

</pallas_src>

<mosaic_0001>
#map = affine_map<(d0, d1) -> (0)>
#map1 = affine_map<(d0, d1) -> (0, 0)>
module attributes {stable_mosaic.version = 14 : i64} {
  func.func @k(%arg0: i32, %arg1: i32, %arg2: memref<1048576xf32, #tpu.memory_space<hbm>>, %arg3: memref<16xf32, #tpu.memory_space<hbm>>, %arg4: memref<16xf32, #tpu.memory_space<hbm>>, %arg5: memref<65x1048576xf32, #tpu.memory_space<hbm>>, %arg6: memref<32768xf32, #tpu.memory_space<vmem>>, %arg7: memref<65x256xf32, #tpu.memory_space<vmem>>, %arg8: memref<65x256xf32, #tpu.memory_space<vmem>>, %arg9: memref<256xi32, #tpu.memory_space<vmem>>, %arg10: memref<256xi32, #tpu.memory_space<vmem>>, %arg11: memref<16xf32, #tpu.memory_space<vmem>>, %arg12: memref<16xf32, #tpu.memory_space<vmem>>, %arg13: memref<!tpu.dma_semaphore, #tpu.memory_space<semaphore_mem>>, %arg14: memref<!tpu.dma_semaphore, #tpu.memory_space<semaphore_mem>>, %arg15: memref<!tpu.dma_semaphore, #tpu.memory_space<semaphore_mem>>) attributes {dimension_semantics = [#tpu.dimension_semantics<core_parallel>, #tpu.dimension_semantics<subcore_parallel>], iteration_bounds = array<i64: 2, 16>, scalar_prefetch = 0 : i64, scratch_operands = 10 : i64, tpu.core_type = #tpu.core_type<sc_vector_subcore>, window_params = [{transform_indices = #map}, {transform_indices = #map}, {transform_indices = #map}, {transform_indices = #map1}]} {
    %mul3A = arith.constant 2 : i32
    %mul3A_0 = arith.muli %arg1, %mul3A : i32
    %add3A = arith.addi %mul3A_0, %arg0 : i32
    %mul3A_1 = arith.constant 32768 : i32
    %mul3A_2 = arith.muli %add3A, %mul3A_1 : i32
    %dma_start3A = tpu.memref_slice %arg2[%mul3A_2] : memref<1048576xf32, #tpu.memory_space<hbm>> -> memref<32768xf32, #tpu.memory_space<hbm>>
    %dma_start3A_3 = tpu.memref_slice %arg2[%mul3A_2] : memref<1048576xf32, #tpu.memory_space<hbm>> -> memref<32768xf32, #tpu.memory_space<hbm>>
    tpu.enqueue_dma source(%dma_start3A_3 : memref<32768xf32, #tpu.memory_space<hbm>>) target(%arg6 : memref<32768xf32, #tpu.memory_space<vmem>>) target_semaphore(%arg15 : memref<!tpu.dma_semaphore, #tpu.memory_space<semaphore_mem>>)
    "tpu.region"() ({
      %run_scoped3A = tpu.sem_alloc : memref<!tpu.dma_semaphore, #tpu.memory_space<semaphore_mem>>
      tpu.enqueue_dma source(%arg3 : memref<16xf32, #tpu.memory_space<hbm>>) target(%arg11 : memref<16xf32, #tpu.memory_space<vmem>>) target_semaphore(%run_scoped3A : memref<!tpu.dma_semaphore, #tpu.memory_space<semaphore_mem>>)
      tpu.wait_dma2 semaphore(%run_scoped3A : memref<!tpu.dma_semaphore, #tpu.memory_space<semaphore_mem>>) src(%arg3 : memref<16xf32, #tpu.memory_space<hbm>>) dst(%arg11 : memref<16xf32, #tpu.memory_space<vmem>>)
      tpu.yield
    }) : () -> ()
    "tpu.region"() ({
      %run_scoped3A = tpu.sem_alloc : memref<!tpu.dma_semaphore, #tpu.memory_space<semaphore_mem>>
      tpu.enqueue_dma source(%arg4 : memref<16xf32, #tpu.memory_space<hbm>>) target(%arg12 : memref<16xf32, #tpu.memory_space<vmem>>) target_semaphore(%run_scoped3A : memref<!tpu.dma_semaphore, #tpu.memory_space<semaphore_mem>>)
      tpu.wait_dma2 semaphore(%run_scoped3A : memref<!tpu.dma_semaphore, #tpu.memory_space<semaphore_mem>>) src(%arg4 : memref<16xf32, #tpu.memory_space<hbm>>) dst(%arg12 : memref<16xf32, #tpu.memory_space<vmem>>)
      tpu.yield
    }) : () -> ()
    %get3A = arith.constant 0 : index
    %get3A_4 = tpu.vector_load %arg11[%get3A] {strides = array<i32>} : memref<16xf32, #tpu.memory_space<vmem>>, vector<16xf32>,
    %get3A_5 = arith.constant 0 : index
    %get3A_6 = tpu.vector_load %arg12[%get3A_5] {strides = array<i32>} : memref<16xf32, #tpu.memory_space<vmem>>, vector<16xf32>,
    %iota3A = tpu.iota {dimensions = array<i32: 0>} : vector<16xi32>
    %broadcast_in_dim3A = arith.constant 0.000000e+00 : f32
    %broadcast_in_dim3A_7 = vector.broadcast %broadcast_in_dim3A : f32 to vector<16xf32>
    %scan3A = arith.constant 0 : i32
    %scan3A_8 = arith.constant 0 : i32
    %scan3A_9 = arith.constant 1040 : i32
    %scan3A_10 = arith.addi %scan3A_8, %scan3A_9 : i32
    %scan3A_11 = arith.constant 1 : i32
    scf.for %scan3A_56 = %scan3A_8 to %scan3A_10 step %scan3A_11  : i32 {
      %mul3A_57 = arith.constant 16 : i32
      %mul3A_58 = arith.muli %scan3A_56, %mul3A_57 : i32
      %add3A_59 = vector.broadcast %mul3A_58 : i32 to vector<16xi32>
      %add3A_60 = arith.addi %add3A_59, %iota3A : vector<16xi32>
      %shift_right_logical3A = arith.constant 8 : i32
      %shift_right_logical3A_61 = vector.broadcast %shift_right_logical3A : i32 to vector<16xi32>
      %shift_right_logical3A_62 = arith.shrui %add3A_60, %shift_right_logical3A_61 : vector<16xi32>
      %and3A = arith.constant 255 : i32
      %and3A_63 = vector.broadcast %and3A : i32 to vector<16xi32>
      %and3A_64 = arith.andi %add3A_60, %and3A_63 : vector<16xi32>
      tpu.vector_store_idx %arg7[%shift_right_logical3A_62, %and3A_64], %broadcast_in_dim3A_7 : memref<65x256xf32, #tpu.memory_space<vmem>>[vector<16xi32>, vector<16xi32>], vector<16xf32>,
      tpu.vector_store_idx %arg8[%shift_right_logical3A_62, %and3A_64], %broadcast_in_dim3A_7 : memref<65x256xf32, #tpu.memory_space<vmem>>[vector<16xi32>, vector<16xi32>], vector<16xf32>,
    }
    %scan3A_12 = arith.constant 1040 : i32
    %dma_wait3A = tpu.memref_slice %arg2[%mul3A_2] : memref<1048576xf32, #tpu.memory_space<hbm>> -> memref<32768xf32, #tpu.memory_space<hbm>>
    %dma_wait3A_13 = tpu.memref_slice %arg2[%mul3A_2] : memref<1048576xf32, #tpu.memory_space<hbm>> -> memref<32768xf32, #tpu.memory_space<hbm>>
    tpu.wait_dma2 semaphore(%arg15 : memref<!tpu.dma_semaphore, #tpu.memory_space<semaphore_mem>>) src(%dma_wait3A_13 : memref<32768xf32, #tpu.memory_space<hbm>>) dst(%arg6 : memref<32768xf32, #tpu.memory_space<vmem>>)
    %add3A_14 = arith.constant 0 : i32
    %add3A_15 = arith.addi %mul3A_2, %add3A_14 : i32
    %scan3A_16 = arith.constant 0 : i32
    %scan3A_17 = arith.constant 0 : i32
    %scan3A_18 = arith.constant 16 : i32
    %scan3A_19 = arith.addi %scan3A_17, %scan3A_18 : i32
    %scan3A_20 = arith.constant 1 : i32
    scf.for %scan3A_56 = %scan3A_17 to %scan3A_19 step %scan3A_20  : i32 {
      %mul3A_57 = arith.constant 16 : i32
      %mul3A_58 = arith.muli %scan3A_56, %mul3A_57 : i32
      %add3A_59 = vector.broadcast %mul3A_58 : i32 to vector<16xi32>
      %add3A_60 = arith.addi %add3A_59, %iota3A : vector<16xi32>
      %mul3A_61 = arith.constant 16 : i32
      %mul3A_62 = arith.muli %scan3A_56, %mul3A_61 : i32
      %add3A_63 = arith.constant 0 : i32
      %add3A_64 = arith.addi %add3A_63, %mul3A_62 : i32
      %get3A_65 = arith.index_cast %add3A_64 : i32 to index
      %get3A_66 = tpu.vector_load %arg6[%get3A_65] {strides = array<i32>} : memref<32768xf32, #tpu.memory_space<vmem>>, vector<16xf32>,
      %sub3A = arith.subf %get3A_66, %get3A_4 : vector<16xf32>
      %mul3A_67 = arith.mulf %sub3A, %get3A_6 : vector<16xf32>
      %convert_element_type3A = arith.fptosi %mul3A_67 : vector<16xf32> to vector<16xi32>
      %convert_element_type3A_68 = arith.sitofp %convert_element_type3A : vector<16xi32> to vector<16xf32>
      %sub3A_69 = arith.subf %mul3A_67, %convert_element_type3A_68 : vector<16xf32>
      %sub3A_70 = arith.constant 1.000000e+00 : f32
      %sub3A_71 = vector.broadcast %sub3A_70 : f32 to vector<16xf32>
      %sub3A_72 = arith.subf %sub3A_71, %sub3A_69 : vector<16xf32>
      tpu.vector_store_idx %arg7[%convert_element_type3A, %add3A_60], %sub3A_72 : memref<65x256xf32, #tpu.memory_space<vmem>>[vector<16xi32>, vector<16xi32>], vector<16xf32>,
      %add3A_73 = arith.constant 1 : i32
      %add3A_74 = vector.broadcast %add3A_73 : i32 to vector<16xi32>
      %add3A_75 = arith.addi %convert_element_type3A, %add3A_74 : vector<16xi32>
      tpu.vector_store_idx %arg7[%add3A_75, %add3A_60], %sub3A_69 : memref<65x256xf32, #tpu.memory_space<vmem>>[vector<16xi32>, vector<16xi32>], vector<16xf32>,
      %mul3A_76 = arith.constant 16 : i32
      %mul3A_77 = arith.muli %scan3A_56, %mul3A_76 : i32
      %swap3A = arith.index_cast %mul3A_77 : i32 to index
      %swap3A_78 = tpu.vector_load %arg9[%swap3A] {strides = array<i32>} : memref<256xi32, #tpu.memory_space<vmem>>, vector<16xi32>,
      tpu.vector_store %arg9[%swap3A], %convert_element_type3A {strides = array<i32>} : memref<256xi32, #tpu.memory_space<vmem>>, vector<16xi32>,
    }
    %scan3A_21 = arith.constant 16 : i32
    %dma_start3A_22 = arith.constant 0 : i32
    %dma_start3A_23 = tpu.memref_slice %arg5[%dma_start3A_22, %add3A_15] : memref<65x1048576xf32, #tpu.memory_space<hbm>> -> memref<65x256xf32, #tpu.memory_space<hbm>>
    %dma_start3A_24 = arith.constant 0 : i32
    %dma_start3A_25 = tpu.memref_slice %arg5[%dma_start3A_24, %add3A_15] : memref<65x1048576xf32, #tpu.memory_space<hbm>> -> memref<65x256xf32, #tpu.memory_space<hbm>>
    tpu.enqueue_dma source(%arg7 : memref<65x256xf32, #tpu.memory_space<vmem>>) target(%dma_start3A_25 : memref<65x256xf32, #tpu.memory_space<hbm>>) target_semaphore(%arg13 : memref<!tpu.dma_semaphore, #tpu.memory_space<semaphore_mem>>)
    %add3A_26 = arith.constant 256 : i32
    %add3A_27 = arith.addi %mul3A_2, %add3A_26 : i32
    %scan3A_28 = arith.constant 0 : i32
    %scan3A_29 = arith.constant 0 : i32
    %scan3A_30 = arith.constant 16 : i32
    %scan3A_31 = arith.addi %scan3A_29, %scan3A_30 : i32
    %scan3A_32 = arith.constant 1 : i32
    scf.for %scan3A_56 = %scan3A_29 to %scan3A_31 step %scan3A_32  : i32 {
      %mul3A_57 = arith.constant 16 : i32
      %mul3A_58 = arith.muli %scan3A_56, %mul3A_57 : i32
      %add3A_59 = vector.broadcast %mul3A_58 : i32 to vector<16xi32>
      %add3A_60 = arith.addi %add3A_59, %iota3A : vector<16xi32>
      %mul3A_61 = arith.constant 16 : i32
      %mul3A_62 = arith.muli %scan3A_56, %mul3A_61 : i32
      %add3A_63 = arith.constant 256 : i32
      %add3A_64 = arith.addi %add3A_63, %mul3A_62 : i32
      %get3A_65 = arith.index_cast %add3A_64 : i32 to index
      %get3A_66 = tpu.vector_load %arg6[%get3A_65] {strides = array<i32>} : memref<32768xf32, #tpu.memory_space<vmem>>, vector<16xf32>,
      %sub3A = arith.subf %get3A_66, %get3A_4 : vector<16xf32>
      %mul3A_67 = arith.mulf %sub3A, %get3A_6 : vector<16xf32>
      %convert_element_type3A = arith.fptosi %mul3A_67 : vector<16xf32> to vector<16xi32>
      %convert_element_type3A_68 = arith.sitofp %convert_element_type3A : vector<16xi32> to vector<16xf32>
      %sub3A_69 = arith.subf %mul3A_67, %convert_element_type3A_68 : vector<16xf32>
      %sub3A_70 = arith.constant 1.000000e+00 : f32
      %sub3A_71 = vector.broadcast %sub3A_70 : f32 to vector<16xf32>
      %sub3A_72 = arith.subf %sub3A_71, %sub3A_69 : vector<16xf32>
      tpu.vector_store_idx %arg8[%convert_element_type3A, %add3A_60], %sub3A_72 : memref<65x256xf32, #tpu.memory_space<vmem>>[vector<16xi32>, vector<16xi32>], vector<16xf32>,
      %add3A_73 = arith.constant 1 : i32
      %add3A_74 = vector.broadcast %add3A_73 : i32 to vector<16xi32>
      %add3A_75 = arith.addi %convert_element_type3A, %add3A_74 : vector<16xi32>
      tpu.vector_store_idx %arg8[%add3A_75, %add3A_60], %sub3A_69 : memref<65x256xf32, #tpu.memory_space<vmem>>[vector<16xi32>, vector<16xi32>], vector<16xf32>,
      %mul3A_76 = arith.constant 16 : i32
      %mul3A_77 = arith.muli %scan3A_56, %mul3A_76 : i32
      %swap3A = arith.index_cast %mul3A_77 : i32 to index
      %swap3A_78 = tpu.vector_load %arg10[%swap3A] {strides = array<i32>} : memref<256xi32, #tpu.memory_space<vmem>>, vector<16xi32>,
      tpu.vector_store %arg10[%swap3A], %convert_element_type3A {strides = array<i32>} : memref<256xi32, #tpu.memory_space<vmem>>, vector<16xi32>,
    }
    %scan3A_33 = arith.constant 16 : i32
    %dma_start3A_34 = arith.constant 0 : i32
    %dma_start3A_35 = tpu.memref_slice %arg5[%dma_start3A_34, %add3A_27] : memref<65x1048576xf32, #tpu.memory_space<hbm>> -> memref<65x256xf32, #tpu.memory_space<hbm>>
    %dma_start3A_36 = arith.constant 0 : i32
    %dma_start3A_37 = tpu.memref_slice %arg5[%dma_start3A_36, %add3A_27] : memref<65x1048576xf32, #tpu.memory_space<hbm>> -> memref<65x256xf32, #tpu.memory_space<hbm>>
    tpu.enqueue_dma source(%arg8 : memref<65x256xf32, #tpu.memory_space<vmem>>) target(%dma_start3A_37 : memref<65x256xf32, #tpu.memory_space<hbm>>) target_semaphore(%arg14 : memref<!tpu.dma_semaphore, #tpu.memory_space<semaphore_mem>>)
    %scan3A_38 = arith.constant 0 : i32
    %scan3A_39 = arith.constant 1 : i32
    %scan3A_40 = arith.constant 63 : i32
    %scan3A_41 = arith.addi %scan3A_39, %scan3A_40 : i32
    %scan3A_42 = arith.constant 1 : i32
    scf.for %scan3A_56 = %scan3A_39 to %scan3A_41 step %scan3A_42  : i32 {
      %dma_wait3A_57 = arith.constant 0 : i32
      %dma_wait3A_58 = arith.constant 0 : i32
      %dma_wait3A_59 = tpu.memref_slice %arg5[%dma_wait3A_57, %dma_wait3A_58] : memref<65x1048576xf32, #tpu.memory_space<hbm>> -> memref<65x256xf32, #tpu.memory_space<hbm>>
      %dma_wait3A_60 = arith.constant 0 : i32
      %dma_wait3A_61 = arith.constant 0 : i32
      %dma_wait3A_62 = tpu.memref_slice %arg5[%dma_wait3A_60, %dma_wait3A_61] : memref<65x1048576xf32, #tpu.memory_space<hbm>> -> memref<65x256xf32, #tpu.memory_space<hbm>>
      tpu.wait_dma2 semaphore(%arg13 : memref<!tpu.dma_semaphore, #tpu.memory_space<semaphore_mem>>) src(%arg7 : memref<65x256xf32, #tpu.memory_space<vmem>>) dst(%dma_wait3A_62 : memref<65x256xf32, #tpu.memory_space<hbm>>)
      %mul3A_63 = arith.constant 2 : i32
      %mul3A_64 = arith.muli %mul3A_63, %scan3A_56 : i32
      %add3A_65 = arith.constant 0 : i32
      %add3A_66 = arith.addi %mul3A_64, %add3A_65 : i32
      %mul3A_67 = arith.constant 256 : i32
      %mul3A_68 = arith.muli %add3A_66, %mul3A_67 : i32
      %add3A_69 = arith.addi %mul3A_2, %mul3A_68 : i32
      %scan3A_70 = arith.constant 0 : i32
      %scan3A_71 = arith.constant 0 : i32
      %scan3A_72 = arith.constant 16 : i32
      %scan3A_73 = arith.addi %scan3A_71, %scan3A_72 : i32
      %scan3A_74 = arith.constant 1 : i32
      scf.for %scan3A_103 = %scan3A_71 to %scan3A_73 step %scan3A_74  : i32 {
        %mul3A_104 = arith.constant 16 : i32
        %mul3A_105 = arith.muli %scan3A_103, %mul3A_104 : i32
        %add3A_106 = vector.broadcast %mul3A_105 : i32 to vector<16xi32>
        %add3A_107 = arith.addi %add3A_106, %iota3A : vector<16xi32>
        %mul3A_108 = arith.constant 16 : i32
        %mul3A_109 = arith.muli %scan3A_103, %mul3A_108 : i32
        %get3A_110 = arith.index_cast %mul3A_109 : i32 to index
        %get3A_111 = tpu.vector_load %arg9[%get3A_110] {strides = array<i32>} : memref<256xi32, #tpu.memory_space<vmem>>, vector<16xi32>,
        tpu.vector_store_idx %arg7[%get3A_111, %add3A_107], %broadcast_in_dim3A_7 : memref<65x256xf32, #tpu.memory_space<vmem>>[vector<16xi32>, vector<16xi32>], vector<16xf32>,
        %add3A_112 = arith.constant 1 : i32
        %add3A_113 = vector.broadcast %add3A_112 : i32 to vector<16xi32>
        %add3A_114 = arith.addi %get3A_111, %add3A_113 : vector<16xi32>
        tpu.vector_store_idx %arg7[%add3A_114, %add3A_107], %broadcast_in_dim3A_7 : memref<65x256xf32, #tpu.memory_space<vmem>>[vector<16xi32>, vector<16xi32>], vector<16xf32>,
        %mul3A_115 = arith.constant 256 : i32
        %mul3A_116 = arith.muli %add3A_66, %mul3A_115 : i32
        %mul3A_117 = arith.constant 16 : i32
        %mul3A_118 = arith.muli %scan3A_103, %mul3A_117 : i32
        %add3A_119 = arith.addi %mul3A_116, %mul3A_118 : i32
        %get3A_120 = arith.index_cast %add3A_119 : i32 to index
        %get3A_121 = tpu.vector_load %arg6[%get3A_120] {strides = array<i32>} : memref<32768xf32, #tpu.memory_space<vmem>>, vector<16xf32>,
        %sub3A = arith.subf %get3A_121, %get3A_4 : vector<16xf32>
        %mul3A_122 = arith.mulf %sub3A, %get3A_6 : vector<16xf32>
        %convert_element_type3A = arith.fptosi %mul3A_122 : vector<16xf32> to vector<16xi32>
        %convert_element_type3A_123 = arith.sitofp %convert_element_type3A : vector<16xi32> to vector<16xf32>
        %sub3A_124 = arith.subf %mul3A_122, %convert_element_type3A_123 : vector<16xf32>
        %sub3A_125 = arith.constant 1.000000e+00 : f32
        %sub3A_126 = vector.broadcast %sub3A_125 : f32 to vector<16xf32>
        %sub3A_127 = arith.subf %sub3A_126, %sub3A_124 : vector<16xf32>
        tpu.vector_store_idx %arg7[%convert_element_type3A, %add3A_107], %sub3A_127 : memref<65x256xf32, #tpu.memory_space<vmem>>[vector<16xi32>, vector<16xi32>], vector<16xf32>,
        %add3A_128 = arith.constant 1 : i32
        %add3A_129 = vector.broadcast %add3A_128 : i32 to vector<16xi32>
        %add3A_130 = arith.addi %convert_element_type3A, %add3A_129 : vector<16xi32>
        tpu.vector_store_idx %arg7[%add3A_130, %add3A_107], %sub3A_124 : memref<65x256xf32, #tpu.memory_space<vmem>>[vector<16xi32>, vector<16xi32>], vector<16xf32>,
        %mul3A_131 = arith.constant 16 : i32
        %mul3A_132 = arith.muli %scan3A_103, %mul3A_131 : i32
        %swap3A = arith.index_cast %mul3A_132 : i32 to index
        %swap3A_133 = tpu.vector_load %arg9[%swap3A] {strides = array<i32>} : memref<256xi32, #tpu.memory_space<vmem>>, vector<16xi32>,
        tpu.vector_store %arg9[%swap3A], %convert_element_type3A {strides = array<i32>} : memref<256xi32, #tpu.memory_space<vmem>>, vector<16xi32>,
      }
      %scan3A_75 = arith.constant 16 : i32
      %dma_start3A_76 = arith.constant 0 : i32
      %dma_start3A_77 = tpu.memref_slice %arg5[%dma_start3A_76, %add3A_69] : memref<65x1048576xf32, #tpu.memory_space<hbm>> -> memref<65x256xf32, #tpu.memory_space<hbm>>
      %dma_start3A_78 = arith.constant 0 : i32
      %dma_start3A_79 = tpu.memref_slice %arg5[%dma_start3A_78, %add3A_69] : memref<65x1048576xf32, #tpu.memory_space<hbm>> -> memref<65x256xf32, #tpu.memory_space<hbm>>
      tpu.enqueue_dma source(%arg7 : memref<65x256xf32, #tpu.memory_space<vmem>>) target(%dma_start3A_79 : memref<65x256xf32, #tpu.memory_space<hbm>>) target_semaphore(%arg13 : memref<!tpu.dma_semaphore, #tpu.memory_space<semaphore_mem>>)
      %dma_wait3A_80 = arith.constant 0 : i32
      %dma_wait3A_81 = arith.constant 0 : i32
      %dma_wait3A_82 = tpu.memref_slice %arg5[%dma_wait3A_80, %dma_wait3A_81] : memref<65x1048576xf32, #tpu.memory_space<hbm>> -> memref<65x256xf32, #tpu.memory_space<hbm>>
      %dma_wait3A_83 = arith.constant 0 : i32
      %dma_wait3A_84 = arith.constant 0 : i32
      %dma_wait3A_85 = tpu.memref_slice %arg5[%dma_wait3A_83, %dma_wait3A_84] : memref<65x1048576xf32, #tpu.memory_space<hbm>> -> memref<65x256xf32, #tpu.memory_space<hbm>>
      tpu.wait_dma2 semaphore(%arg14 : memref<!tpu.dma_semaphore, #tpu.memory_space<semaphore_mem>>) src(%arg8 : memref<65x256xf32, #tpu.memory_space<vmem>>) dst(%dma_wait3A_85 : memref<65x256xf32, #tpu.memory_space<hbm>>)
      %mul3A_86 = arith.constant 2 : i32
      %mul3A_87 = arith.muli %mul3A_86, %scan3A_56 : i32
      %add3A_88 = arith.constant 1 : i32
      %add3A_89 = arith.addi %mul3A_87, %add3A_88 : i32
      %mul3A_90 = arith.constant 256 : i32
      %mul3A_91 = arith.muli %add3A_89, %mul3A_90 : i32
      %add3A_92 = arith.addi %mul3A_2, %mul3A_91 : i32
      %scan3A_93 = arith.constant 0 : i32
      %scan3A_94 = arith.constant 0 : i32
      %scan3A_95 = arith.constant 16 : i32
      %scan3A_96 = arith.addi %scan3A_94, %scan3A_95 : i32
      %scan3A_97 = arith.constant 1 : i32
      scf.for %scan3A_103 = %scan3A_94 to %scan3A_96 step %scan3A_97  : i32 {
        %mul3A_104 = arith.constant 16 : i32
        %mul3A_105 = arith.muli %scan3A_103, %mul3A_104 : i32
        %add3A_106 = vector.broadcast %mul3A_105 : i32 to vector<16xi32>
        %add3A_107 = arith.addi %add3A_106, %iota3A : vector<16xi32>
        %mul3A_108 = arith.constant 16 : i32
        %mul3A_109 = arith.muli %scan3A_103, %mul3A_108 : i32
        %get3A_110 = arith.index_cast %mul3A_109 : i32 to index
        %get3A_111 = tpu.vector_load %arg10[%get3A_110] {strides = array<i32>} : memref<256xi32, #tpu.memory_space<vmem>>, vector<16xi32>,
        tpu.vector_store_idx %arg8[%get3A_111, %add3A_107], %broadcast_in_dim3A_7 : memref<65x256xf32, #tpu.memory_space<vmem>>[vector<16xi32>, vector<16xi32>], vector<16xf32>,
        %add3A_112 = arith.constant 1 : i32
        %add3A_113 = vector.broadcast %add3A_112 : i32 to vector<16xi32>
        %add3A_114 = arith.addi %get3A_111, %add3A_113 : vector<16xi32>
        tpu.vector_store_idx %arg8[%add3A_114, %add3A_107], %broadcast_in_dim3A_7 : memref<65x256xf32, #tpu.memory_space<vmem>>[vector<16xi32>, vector<16xi32>], vector<16xf32>,
        %mul3A_115 = arith.constant 256 : i32
        %mul3A_116 = arith.muli %add3A_89, %mul3A_115 : i32
        %mul3A_117 = arith.constant 16 : i32
        %mul3A_118 = arith.muli %scan3A_103, %mul3A_117 : i32
        %add3A_119 = arith.addi %mul3A_116, %mul3A_118 : i32
        %get3A_120 = arith.index_cast %add3A_119 : i32 to index
        %get3A_121 = tpu.vector_load %arg6[%get3A_120] {strides = array<i32>} : memref<32768xf32, #tpu.memory_space<vmem>>, vector<16xf32>,
        %sub3A = arith.subf %get3A_121, %get3A_4 : vector<16xf32>
        %mul3A_122 = arith.mulf %sub3A, %get3A_6 : vector<16xf32>
        %convert_element_type3A = arith.fptosi %mul3A_122 : vector<16xf32> to vector<16xi32>
        %convert_element_type3A_123 = arith.sitofp %convert_element_type3A : vector<16xi32> to vector<16xf32>
        %sub3A_124 = arith.subf %mul3A_122, %convert_element_type3A_123 : vector<16xf32>
        %sub3A_125 = arith.constant 1.000000e+00 : f32
        %sub3A_126 = vector.broadcast %sub3A_125 : f32 to vector<16xf32>
        %sub3A_127 = arith.subf %sub3A_126, %sub3A_124 : vector<16xf32>
        tpu.vector_store_idx %arg8[%convert_element_type3A, %add3A_107], %sub3A_127 : memref<65x256xf32, #tpu.memory_space<vmem>>[vector<16xi32>, vector<16xi32>], vector<16xf32>,
        %add3A_128 = arith.constant 1 : i32
        %add3A_129 = vector.broadcast %add3A_128 : i32 to vector<16xi32>
        %add3A_130 = arith.addi %convert_element_type3A, %add3A_129 : vector<16xi32>
        tpu.vector_store_idx %arg8[%add3A_130, %add3A_107], %sub3A_124 : memref<65x256xf32, #tpu.memory_space<vmem>>[vector<16xi32>, vector<16xi32>], vector<16xf32>,
        %mul3A_131 = arith.constant 16 : i32
        %mul3A_132 = arith.muli %scan3A_103, %mul3A_131 : i32
        %swap3A = arith.index_cast %mul3A_132 : i32 to index
        %swap3A_133 = tpu.vector_load %arg10[%swap3A] {strides = array<i32>} : memref<256xi32, #tpu.memory_space<vmem>>, vector<16xi32>,
        tpu.vector_store %arg10[%swap3A], %convert_element_type3A {strides = array<i32>} : memref<256xi32, #tpu.memory_space<vmem>>, vector<16xi32>,
      }
      %scan3A_98 = arith.constant 16 : i32
      %dma_start3A_99 = arith.constant 0 : i32
      %dma_start3A_100 = tpu.memref_slice %arg5[%dma_start3A_99, %add3A_92] : memref<65x1048576xf32, #tpu.memory_space<hbm>> -> memref<65x256xf32, #tpu.memory_space<hbm>>
      %dma_start3A_101 = arith.constant 0 : i32
      %dma_start3A_102 = tpu.memref_slice %arg5[%dma_start3A_101, %add3A_92] : memref<65x1048576xf32, #tpu.memory_space<hbm>> -> memref<65x256xf32, #tpu.memory_space<hbm>>
      tpu.enqueue_dma source(%arg8 : memref<65x256xf32, #tpu.memory_space<vmem>>) target(%dma_start3A_102 : memref<65x256xf32, #tpu.memory_space<hbm>>) target_semaphore(%arg14 : memref<!tpu.dma_semaphore, #tpu.memory_space<semaphore_mem>>)
    }
    %scan3A_43 = arith.constant 63 : i32
    %dma_wait3A_44 = arith.constant 0 : i32
    %dma_wait3A_45 = arith.constant 0 : i32
    %dma_wait3A_46 = tpu.memref_slice %arg5[%dma_wait3A_44, %dma_wait3A_45] : memref<65x1048576xf32, #tpu.memory_space<hbm>> -> memref<65x256xf32, #tpu.memory_space<hbm>>
    %dma_wait3A_47 = arith.constant 0 : i32
    %dma_wait3A_48 = arith.constant 0 : i32
    %dma_wait3A_49 = tpu.memref_slice %arg5[%dma_wait3A_47, %dma_wait3A_48] : memref<65x1048576xf32, #tpu.memory_space<hbm>> -> memref<65x256xf32, #tpu.memory_space<hbm>>
    tpu.wait_dma2 semaphore(%arg13 : memref<!tpu.dma_semaphore, #tpu.memory_space<semaphore_mem>>) src(%arg7 : memref<65x256xf32, #tpu.memory_space<vmem>>) dst(%dma_wait3A_49 : memref<65x256xf32, #tpu.memory_space<hbm>>)
    %dma_wait3A_50 = arith.constant 0 : i32
    %dma_wait3A_51 = arith.constant 0 : i32
    %dma_wait3A_52 = tpu.memref_slice %arg5[%dma_wait3A_50, %dma_wait3A_51] : memref<65x1048576xf32, #tpu.memory_space<hbm>> -> memref<65x256xf32, #tpu.memory_space<hbm>>
    %dma_wait3A_53 = arith.constant 0 : i32
    %dma_wait3A_54 = arith.constant 0 : i32
    %dma_wait3A_55 = tpu.memref_slice %arg5[%dma_wait3A_53, %dma_wait3A_54] : memref<65x1048576xf32, #tpu.memory_space<hbm>> -> memref<65x256xf32, #tpu.memory_space<hbm>>
    tpu.wait_dma2 semaphore(%arg14 : memref<!tpu.dma_semaphore, #tpu.memory_space<semaphore_mem>>) src(%arg8 : memref<65x256xf32, #tpu.memory_space<vmem>>) dst(%dma_wait3A_55 : memref<65x256xf32, #tpu.memory_space<hbm>>)
    return
  }
}

</mosaic_0001>

<sc_bundles>
// kernel: _sc_proj.3.cloned.1.call-start
scs
__scs_entry_jumppad:
0x0: {  	(pc) =	sbr.rel $0x88, $3  }
0x1: {  	(tag) =	ssettag $0x0;
	lr =	simm.s32 $0x1  }
0x2: {  	[smem:$0x3F9E] =	sst lr;
	_ =	strace $0xD0000000  }
0x3: {  	_ = 	snop  }
0x4: {  	_ = 	snop  }
0x5: {  	_ = 	snop  }
0x6: {  	_ = 	snop  }
0x7: {  	_ = 	snop  }
__scs_overlays_trampoline_lowered:
0x8: {  	[smem:$0x3FAD] =	sst s0  }
0x9: {  	[smem:$0x3FAE] =	sst s1  }
0xa: {  	[smem:$0x3FAF] =	sst s2  }
0xb: {  	[smem:$0x3FB0] =	sst s3  }
0xc: {  	[smem:$0x3FB1] =	sst s4  }
0xd: {  	[smem:$0x3FB2] =	sst s5  }
0xe: {  	[smem:$0x3FB3] =	sst s6  }
0xf: {  	[smem:$0x3FB4] =	sst s7  }
0x10: {  	[smem:$0x3FB5] =	sst s8  }
0x11: {  	[smem:$0x3FB6] =	sst s9;
	s0 =	simm.s32 @!p0 $0x0  }
0x12: {  	s1 =	sld [smem:$0x3F9C];
	s0 =	simm.s32 @p0 $0x1  }
0x13: {  	[smem:$0x3FB7] =	sst s0;
	s0 =	simm.s32 @!p1 $0x0  }
0x14: {  	s2 =	sld [smem:$0x3F9B];
	s0 =	simm.s32 @p1 $0x1  }
0x15: {  	[smem:$0x3FB8] =	sst s0;
	s0 =	simm.s32 @!p2 $0x0  }
0x16: {  	s3 =	sld [smem:$0x3FDB];
	s0 =	simm.s32 @p2 $0x1  }
0x17: {  	s4 =	simm.s32 $0x1BF5;
	[smem:$0x3FBA] =	sst s0  }
0x18: {  	s0 =	sld [smem:$0x3F9D];
	_ =	swait.ge [sflag:s4], $0x0  }
0x19: {  	s7 =	sld [smem:$0x3F9E]  }
0x1a: {  	s8 =	sadd.s32 $0xFFFFE003, lr  }
0x1b: {  	s9 =	sadd.s32 $0xFFFFFEF7, lr;
	s5 =	simm.s32 $0xFFFFFFFF;
	p2 =	slt.u32 s8, $0xFFFFF086  }
0x1c: {  	p1 =	slt.u32 s9, $0xF7A;
	s5 =	simm.s32 @!p2 $0x0  }
0x1d: {  	s5 =	simm.s32 @p1 $0x1;
	p0 =	seq.s32 s7, s2  }
0x1e: {  	s7 =	smul.u32 @!p0 $0xF7A, s2;
	p2 =	seq.s32 @!p0 s5, $0x0  }
0x1f: {  	s9 =	smul.u32 $0xF7A, s1;
	s8 =	simm.s32 @!p0 $0x1BF5;
	p2 =	por !p2, p0  }
0x20: {  	[sflag:s8] =	ssyncset.s32 @!p0 $0xFFFFF086;
	s6 =	sadd.s32 @!p0 s3, s7;
	s7 =	simm.s32 @!p0 $0x108  }
0x21: {  	s3 =	sadd.s32 s3, s9;
	s6 =	sadd.s32 @!p0 $0x88, s6;
	s7 =	simm.s32 @p2 $0x1082  }
0x22: {  	[simem:s7], [sflag:s8] =	dma.local @!p0 [hbm:s6], $0xF7A  }
0x23: {  	s9 =	sor.u32 $0xD0000000, s2;
	s6 =	simm.s32 $0x108;
	_ =	swait.ge @!p0 [sflag:s8], $0x0  }
0x24: {  	s3 =	sadd.s32 $0x88, s3;
	s6 =	simm.s32 @!p1 $0x1082;
	[sflag:s4] =	ssyncset.s32 $0xFFFFF086  }
0x25: {  	[simem:s6], [sflag:s4] =	dma.local [hbm:s3], $0xF7A  }
0x26: {  	[smem:$0x3F9E] =	sst s1;
	(tag) =	ssettag s2;
	_ =	strace s9  }
0x27: {  	s1 =	sld [smem:$0x3FAE]  }
0x28: {  	s2 =	sld [smem:$0x3FAF]  }
0x29: {  	s4 =	sld [smem:$0x3FB1]  }
0x2a: {  	p0 =	seq.s32 s5, $0x0;
	s5 =	sld [smem:$0x3FB2]  }
0x2b: {  	s6 =	sld [smem:$0x3FB3]  }
0x2c: {  	s7 =	sld [smem:$0x3FB4]  }
0x2d: {  	s3 =	simm.s32 $0x108;
	s8 =	sld [smem:$0x3FB5]  }
0x2e: {  	s3 =	simm.s32 @!p0 $0x1082;
	s9 =	sld [smem:$0x3FB6]  }
0x2f: {  	lr =	sadd.s32 s0, s3;
	s0 =	sld [smem:$0x3FAD]  }
0x30: {  	s3 =	sld [smem:$0x3FB0]  }
0x31: {  	[smem:$0x3FB9] =	sst s10  }
0x32: {  	s10 =	sld [smem:$0x3FB7];
	_ =	sdelay $0x3  }
0x33: {  	p0 =	seq.s32 s10, $0x1;
	s10 =	sld [smem:$0x3FB9];
	_ =	sdelay $0x3  }
0x34: {  	[smem:$0x3FB9] =	sst s10  }
0x35: {  	s10 =	sld [smem:$0x3FB8];
	_ =	sdelay $0x3  }
0x36: {  	p1 =	seq.s32 s10, $0x1;
	s10 =	sld [smem:$0x3FB9];
	_ =	sdelay $0x3  }
0x37: {  	[smem:$0x3FB9] =	sst s10  }
0x38: {  	s10 =	sld [smem:$0x3FBA]  }
0x39: {  	_ = 	snop;
	(pc) =	sbr.ind lr, $3  }
0x3a: {  	_ = 	snop  }
0x3b: {  	_ = 	snop  }
0x3c: {  	p2 =	seq.s32 s10, $0x1;
	s10 =	sld [smem:$0x3FB9]  }
0x3d: {  	_ =	shalt  }
0x3e: {  	_ =	shalt  }
0x3f: {  	_ =	shalt  }
0x40: {  	_ =	shalt  }
0x41: {  	_ =	shalt  }
0x42: {  	_ =	shalt  }
0x43: {  	_ =	shalt  }
0x44: {  	_ =	shalt  }
0x45: {  	_ =	shalt  }
0x46: {  	_ =	shalt  }
0x47: {  	_ =	shalt  }
0x48: {  	_ =	shalt  }
0x49: {  	_ =	shalt  }
0x4a: {  	_ =	shalt  }
0x4b: {  	_ =	shalt  }
0x4c: {  	_ =	shalt  }
0x4d: {  	_ =	shalt  }
0x4e: {  	_ =	shalt  }
0x4f: {  	_ =	shalt  }
0x50: {  	_ =	shalt  }
0x51: {  	_ =	shalt  }
0x52: {  	_ =	shalt  }
0x53: {  	_ =	shalt  }
0x54: {  	_ =	shalt  }
0x55: {  	_ =	shalt  }
0x56: {  	_ =	shalt  }
0x57: {  	_ =	shalt  }
0x58: {  	_ =	shalt  }
0x59: {  	_ =	shalt  }
0x5a: {  	_ =	shalt  }
0x5b: {  	_ =	shalt  }
0x5c: {  	_ =	shalt  }
0x5d: {  	_ =	shalt  }
0x5e: {  	_ =	shalt  }
0x5f: {  	_ =	shalt  }
0x60: {  	_ =	shalt  }
0x61: {  	_ =	shalt  }
0x62: {  	_ =	shalt  }
0x63: {  	_ =	shalt  }
0x64: {  	_ =	shalt  }
0x65: {  	_ =	shalt  }
0x66: {  	_ =	shalt  }
0x67: {  	_ =	shalt  }
0x68: {  	_ =	shalt  }
0x69: {  	_ =	shalt  }
0x6a: {  	_ =	shalt  }
0x6b: {  	_ =	shalt  }
0x6c: {  	_ =	shalt  }
0x6d: {  	_ =	shalt  }
0x6e: {  	_ =	shalt  }
0x6f: {  	_ =	shalt  }
0x70: {  	_ =	shalt  }
0x71: {  	_ =	shalt  }
0x72: {  	_ =	shalt  }
0x73: {  	_ =	shalt  }
0x74: {  	_ =	shalt  }
0x75: {  	_ =	shalt  }
0x76: {  	_ =	shalt  }
0x77: {  	_ =	shalt  }
0x78: {  	_ =	shalt  }
0x79: {  	_ =	shalt  }
0x7a: {  	_ =	shalt  }
0x7b: {  	_ =	shalt  }
0x7c: {  	_ =	shalt  }
0x7d: {  	_ =	shalt  }
0x7e: {  	_ =	shalt  }
0x7f: {  	_ =	shalt  }
0x80: {  	_ =	shalt  }
0x81: {  	_ =	shalt  }
0x82: {  	_ =	shalt  }
0x83: {  	_ =	shalt  }
0x84: {  	_ =	shalt  }
0x85: {  	_ =	shalt  }
0x86: {  	_ =	shalt  }
0x87: {  	_ =	shalt  }
.Lfunc_end0:
.L_simem_size_0:
called_computation_lowered:
.L_overlay_start_0:
0x88: {  	s2 =	sld [smem:$0x3FD9]  }
0x89: {  	s3 =	sld [smem:$0x3FFE];
	_ =	sdelay $0x1  }
0x8a: {  	s1 =	srdreg.scid  }
0x8b: {  	s0 =	sand.u32 $0x1, s1  }
0x8c: {  	s18 =	sshll.u32 s0, $0xA;
	s2 =	sadd.s32 s3, s2  }
0x8d: {  	s2 =	sadd.s32 s2, s18  }
0x8e: {  	[smem:$0x3FC5] =	sst s2  }
0x8f: {  	_ = 	snop  }
0x90: {  	s2 =	sld [smem:$0x3FC9]  }
0x91: {  	s19 =	sld [smem:$0x3FC8]  }
0x92: {  	s4 =	sld [smem:$0x3FC7]  }
0x93: {  	s5 =	sld [smem:$0x3FD0];
	(tm) =	ssettm $0x1  }
0x94: {  	s6 =	sld [smem:$0x3FFB];
	_ =	sdelay $0x3  }
0x95: {  	_ =	strace s6  }
0x96: {  	s6 =	sld [smem:$0x3FFC];
	_ =	sdelay $0x3  }
0x97: {  	_ =	strace s6  }
0x98: {  	s6 =	sld [smem:$0x3FFD];
	_ =	sdelay $0x3  }
0x99: {  	_ =	strace s6  }
0x9a: {  	_ =	strace $0x8FFFFFFF  }
0x9b: {  	s20 =	sld [smem:$0x3FDB];
	_ =	sdelay $0x1  }
0x9c: {  	s7 =	simm.s32 $_scs_section_size  }
0x9d: {  	s8 =	simm.s32 $_size__tile_overlayer_lowered;
	s9 =	simm.s32 $_tile_overlayer_lowered  }
0x9e: {  	s23 =	simm.s32 $0x1BFF;
	s22 =	sshll.u32 s9, $0x1;
	s6 =	sadd.s32 s7, s20  }
0x9f: {  	s10 =	simm.s32 $0x0;
	s21 =	sshll.u32 s8, $0x1;
	s8 =	sadd.s32 s22, s6  }
0xa0: {  	[timem:s10], [sflag:s23] =	dma.local [hbm:s8], s21  }
0xa1: {  	_ =	swait.ge [sflag:s23], s21  }
0xa2: {  	s7 =	ssub.s32 $0x0, s21;
	[sflag:s23] =	ssyncset.done $0x0  }
0xa3: {  	[sflag:s23] =	ssyncadd.s32 s7;
	_ =	sdelay $0x1  }
0xa4: {  	s24 =	simm.s32 $0x1B8B  }
0xa5: {  	_ =	swait.ge [sflag:s24], $0x1  }
0xa6: {  	[sflag:s24] =	ssyncset.done $0x0  }
0xa7: {  	s25 =	simm.s32 $0x1B8E;
	[sflag:s24] =	ssyncadd.s32 $0xFFFFFFFF  }
0xa8: {  	s26 =	simm.s32 $execute0_lowered;
	[smem:$0x3FD2] =	sst s25  }
0xa9: {  	s7 =	sshll.u32 s26, $0x1;
	_ =	strace $0x80000046;
	[dreg:$0x1] =	wrdreg $0xFFFFFFFF  }
0xaa: {  	s28 =	simm.s32 $_size_execute0_lowered;
	s6 =	sadd.s32 s6, s7;
	[dreg:$0x0] =	wrdreg $0x0  }
0xab: {  	s7 =	sshll.u32 s28, $0x1;
	[dreg:$0x2] =	wrdreg s6  }
0xac: {  	[dreg:$0x3] =	wrdreg s7  }
0xad: {  	[dreg:$0x4] =	wrdreg $0xC0  }
0xae: {  	_ =	task [dreg:s10], $0x5FFFF  }
0xaf: {  	[dreg:$0x1] =	wrdreg $0xFFFFFFFF  }
0xb0: {  	[dreg:$0x0] =	wrdreg $0x60  }
0xb1: {  	[dreg:$0x2] =	wrdreg s2  }
0xb2: {  	[dreg:$0x3] =	wrdreg s19  }
0xb3: {  	[dreg:$0x4] =	wrdreg s4  }
0xb4: {  	[dreg:$0x5] =	wrdreg s5  }
0xb5: {  	[dreg:$0x6] =	wrdreg $0x9  }
0xb6: {  	_ =	task.clear_ibuf [dreg:s10], $0x7FFFF;
	_ =	strace $0x90000046  }
0xb7: {  	s29 =	simm.s32 $0x9;
	_ =	strace $0x80000048  }
0xb8: {  	_ =	swait.ge [sflag:s29], $0x1  }
0xb9: {  	[sflag:s29] =	ssyncadd.s32 $0xFFFFFFFF  }
0xba: {  	_ =	strace $0x90000048  }
0xbb: {  	_ =	sfence  }
0xbc: {  	s30 =	sld [smem:$0x0];
	_ =	sdelay $0x2  }
0xbd: {  	s31 =	sshll.u32 s1, $0xD;
	s1 =	sshrl.u32 s1, $0x2  }
0xbe: {  	s3 =	sand.u32 $0x4000, s31;
	s1 =	sadd.s32 s1, s30  }
0xbf: {  	s0 =	sor.u32 s3, s0;
	s1 =	sshll.u32 s1, $0x11  }
0xc0: {  	s0 =	sor.u32 s1, s0  }
0xc1: {  	s0 =	sadd.s32 $0x8F2B, s0  }
0xc2: {  	[sflag:s0] =	ssyncadd.remote.s32 $0x1  }
0xc3: {  	_ =	sfence.sel $0xFFFF  }
0xc4: {  	[dreg:$0x0] =	wrdreg $0xFFFFFFFF;
	(pc) =	sbr.abs _section_cstart, $3  }
0xc5: {  	[dreg:$0x1] =	wrdreg $0xFFFFFFFF  }
0xc6: {  	_ =	task.clear_ibuf [dreg:s10], $0x2FFFF;
	_ =	strace $0x9FFFFFFF  }
0xc7: {  	(tm) =	ssettm $0x7FFFFFFF  }
tec
execute0_lowered:
.L_overlay_start_1:
0x0: {  	(tag) =	ssettag $0x1  }
0x1: {  	s6 =	rddreg [dreg:$0x0]  }
0x2: {  	s1 =	rddreg [dreg:$0x1]  }
0x3: {  	s2 =	rddreg [dreg:$0x2]  }
0x4: {  	s5 =	rddreg [dreg:$0x3]  }
0x5: {  	s0 =	rddreg [dreg:$0x4];
	s7 =	srdreg.scid  }
0x6: {  	s4 =	simm.s32 $0x0;
	s3 =	stileid.u32;
	s11 =	simm.s32 $0x11280  }
0x7: {  	s12 =	simm.s32 $0x8000;
	s13 =	simm.s32 $0xC800;
	s14 =	simm.s32 $0x3  }
0x8: {  	s15 =	simm.s32 $0x800;
	s16 =	simm.s32 $0x800000;
	s17 =	simm.s32 $0x1  }
0x9: {  	s18 =	simm.s32 $0x2;
	s19 =	simm.s32 $0x0;
	s7 =	sand.u32 $0x1, s7  }
0xa: {  	[smem:$0x7FF] =	sst s4;
	s8 =	sshll.u32 s3, $0x10;
	s9 =	sshll.u32 s7, $0xF  }
0xb: {  	_ =	strace $0x80000047;
	s7 =	ssub.s32 $0x2, s7;
	s8 =	sor.u32 s9, s8  }
0xc: {  	s30 =	sshrl.u32 s7, $0x1;
	s9 =	simm.s32 $0x11200;
	s10 =	sshrl.u32 s8, $0x3  }
0xd: {  	s5 =	sadd.s32 s5, s8;
	s31 =	ssub.s32 s7, s30;
	s6 =	sadd.s32 s6, s10  }
0xe: {  	v0 =	vlaneseq.u32;
	v1 =	vimm.f32 $0.0e+00;
	s7 =	sadd.s32 $0x100, s5;
	s8 =	smax.u32 s31, $0x1;
	s10 =	simm.s32 $0x4  }
.LBB2_1:
0xf: {  	[tilespmem:s4], [sflag:$0x3] =	stream.linear.gather [hbm4b:s6+s4], $0x8000, $0x38;
	[tilespmem:$0x11300] =	vst v63  }
0x10: {  	_ = 	snop  }
0x11: {  	[tilespmem:s9], [sflag:$0x4] =	stream.linear.gather [hbm4b:s1+s4], $0x80, $0x38;
	[tilespmem:$0x11300] =	vst v63  }
0x12: {  	_ =	swait.ge [sflag:s10], $0x80  }
0x13: {  	[sflag:s10] =	ssyncset.done $0x0  }
0x14: {  	[sflag:s10] =	ssyncadd.s32 $0xFFFFFF80  }
0x15: {  	[tilespmem:s11], [sflag:$0x4] =	stream.linear.gather [hbm4b:s2+s4], $0x80, $0x38;
	[tilespmem:$0x11300] =	vst v63  }
0x16: {  	v2 =	vmov s4;
	_ =	swait.ge [sflag:s10], $0x80  }
0x17: {  	v3 =	vshll.u32 v2, $0x3;
	[sflag:s10] =	ssyncset.done $0x0  }
0x18: {  	v4 =	vand.u32 $0x7800, v2;
	v2 =	vshrl.u32 v2, $0x1;
	v3 =	vand.u32 $0x400, v3;
	[sflag:s10] =	ssyncadd.s32 $0xFFFFFF80  }
0x19: {  	v5 =	vor.u32 s4, v0;
	v3 =	vor.u32 v4, v3;
	v4 =	vand.u32 $0x380, v2;
	v2 =	vld [tilespmem:$0x11200]  }
0x1a: {  	v5 =	vand.u32 $0x7F, v5;
	v4 =	vor.u32 v4, v3  }
0x1b: {  	s20 =	simm.s32 $0x10;
	v4 =	vor.u32 v5, v4;
	v3 =	vld [tilespmem:$0x11280]  }
.LBB2_2:
0x1c: {  	v5 =	vmov s20;
	s21 =	smov.u32 s20;
	p0 =	sne.s32 s20, $0x40F0  }
.Ltmp0:
0x1d: {  	s20 =	sadd.s32 $0x10, s20;
	v6 =	vshll.u32 v5, $0x3;
	(pc) =	sbr.rel @p0 .LBB2_2-.Ltmp0, $4  }
0x1e: {  	v7 =	vand.u32 $0x7800, v5;
	v5 =	vshrl.u32 v5, $0x1;
	v6 =	vand.u32 $0x400, v6  }
0x1f: {  	v8 =	vor.u32 s21, v0;
	v5 =	vand.u32 $0x380, v5;
	v6 =	vor.u32 v7, v6  }
0x20: {  	v7 =	vand.u32 $0x7F, v8;
	v5 =	vor.u32 v5, v6;
	[tilespmem:v4+s12+$0x0] =	vst.idx.msk $0xffff, v1  }
0x21: {  	[tilespmem:v4+s13+$0x0] =	vst.idx.msk $0xffff, v1;
	v4 =	vor.u32 v7, v5  }
0x22: {  	_ =	sdelay $0x3  }
0x23: {  	[tilespmem:v4+s12+$0x0] =	vst.idx.msk $0xffff, v1  }
0x24: {  	[tilespmem:v4+s13+$0x0] =	vst.idx.msk $0xffff, v1  }
0x25: {  	_ =	swait.ge [sflag:s14], $0x8000  }
0x26: {  	[sflag:s14] =	ssyncset.done $0x0  }
0x27: {  	s20 =	simm.s32 $0x0;
	[sflag:s14] =	ssyncadd.s32 $0xFFFF8000  }
0x28: {  	v4 =	vld [tilespmem:s20+$0x0];
	_ =	sdelay $0x4  }
0x29: {  	v4 =	vsub.f32 v4, v2;
	_ =	sdelay $0x1  }
0x2a: {  	v4 =	vmul.f32 v4, v3;
	_ =	sdelay $0x1  }
0x2b: {  	v5 =	vtrunc.f32 v4  }
0x2c: {  	v6 =	vmov s20;
	v5 =	vcvt.f32.s32 v5  }
0x2d: {  	v7 =	vor.u32 s20, v0;
	v6 =	vshll.u32 v6, $0x3  }
0x2e: {  	v7 =	vand.u32 $0x7F, v7;
	v6 =	vand.u32 $0x400, v6;
	v8 =	vshll.u32 v5, $0x8  }
0x2f: {  	v9 =	vshll.u32 v5, $0x7;
	v10 =	vadd.s32 $0x1, v5;
	v8 =	vand.u32 $0xFFFFF800, v8  }
0x30: {  	v9 =	vand.u32 $0x380, v9;
	v11 =	vshll.u32 v10, $0x8;
	v10 =	vshll.u32 v10, $0x7  }
0x31: {  	v8 =	vor.u32 v8, v9;
	v62 =	vand.u32 $0xFFFFF800, v11;
	v10 =	vand.u32 $0x380, v10  }
0x32: {  	v63 =	vcvt.s32.f32 v5;
	v8 =	vor.u32 v6, v8;
	v9 =	vor.u32 v62, v10  }
0x33: {  	v8 =	vor.u32 v7, v8;
	v6 =	vor.u32 v6, v9  }
0x34: {  	v4 =	vsub.f32 v4, v63;
	v6 =	vor.u32 v7, v6;
	_ =	sdelay $0x1  }
0x35: {  	v7 =	vsub.f32 $1.000000000e+00, v4;
	_ =	sdelay $0x1  }
0x36: {  	[tilespmem:v8+s12+$0x0] =	vst.idx.msk $0xffff, v7  }
0x37: {  	s20 =	simm.s32 $0x11000;
	[tilespmem:v6+s12+$0x0] =	vst.idx.msk $0xffff, v4  }
0x38: {  	s21 =	simm.s32 $0x10;
	[tilespmem:s20+$0x0] =	vst v5  }
0x39: {  	v4 =	vld [tilespmem:s21+$0x0];
	_ =	sdelay $0x1  }
0x3a: {  	s22 =	simm.s32 $0x20;
	s23 =	simm.s32 $0x10  }
.LBB2_4:
0x3b: {  	p0 =	sne.s32 s22, $0xF0;
	_ =	sdelay $0x1  }
0x3c: {  	v4 =	vsub.f32 v4, v2;
	_ =	sdelay $0x1  }
0x3d: {  	v4 =	vmul.f32 v4, v3;
	_ =	sdelay $0x1  }
0x3e: {  	v5 =	vtrunc.f32 v4  }
0x3f: {  	v6 =	vmov s21;
	v5 =	vcvt.f32.s32 v5  }
0x40: {  	v7 =	vor.u32 s21, v0;
	s21 =	smov.u32 s22;
	v6 =	vshll.u32 v6, $0x3  }
0x41: {  	v7 =	vand.u32 $0x7F, v7;
	v6 =	vand.u32 $0x400, v6;
	v8 =	vshll.u32 v5, $0x8  }
0x42: {  	v9 =	vshll.u32 v5, $0x7;
	v10 =	vadd.s32 $0x1, v5;
	v8 =	vand.u32 $0xFFFFF800, v8  }
0x43: {  	v9 =	vand.u32 $0x380, v9;
	v11 =	vshll.u32 v10, $0x8;
	v10 =	vshll.u32 v10, $0x7  }
0x44: {  	v8 =	vor.u32 v8, v9;
	v9 =	vand.u32 $0xFFFFF800, v11;
	v10 =	vand.u32 $0x380, v10  }
0x45: {  	v11 =	vcvt.s32.f32 v5;
	v8 =	vor.u32 v6, v8;
	v9 =	vor.u32 v9, v10  }
0x46: {  	v8 =	vor.u32 v7, v8;
	v6 =	vor.u32 v6, v9  }
0x47: {  	v4 =	vsub.f32 v4, v11;
	v6 =	vor.u32 v7, v6;
	_ =	sdelay $0x1  }
0x48: {  	v7 =	vsub.f32 $1.000000000e+00, v4;
	_ =	sdelay $0x1  }
0x49: {  	[tilespmem:v8+s12+$0x0] =	vst.idx.msk $0xffff, v7  }
.Ltmp1:
0x4a: {  	s20 =	sadd.s32 $0x10, s20;
	[tilespmem:v6+s12+$0x0] =	vst.idx.msk $0xffff, v4;
	(pc) =	sbr.rel @p0 .LBB2_4-.Ltmp1, $3  }
0x4b: {  	s23 =	sadd.s32 $0x10, s23;
	[tilespmem:s20+$0x0] =	vst v5  }
0x4c: {  	v4 =	vld [tilespmem:s23+$0x0];
	_ =	sdelay $0x1  }
0x4d: {  	s22 =	sadd.s32 $0x10, s22  }
0x4e: {  	_ =	sdelay $0x1  }
0x4f: {  	v4 =	vsub.f32 v4, v2;
	_ =	sdelay $0x1  }
0x50: {  	v4 =	vmul.f32 v4, v3;
	_ =	sdelay $0x1  }
0x51: {  	v5 =	vtrunc.f32 v4  }
0x52: {  	v6 =	vmov s21;
	v5 =	vcvt.f32.s32 v5  }
0x53: {  	v7 =	vor.u32 s21, v0;
	v6 =	vshll.u32 v6, $0x3  }
0x54: {  	v7 =	vand.u32 $0x7F, v7;
	v6 =	vand.u32 $0x400, v6;
	v8 =	vshll.u32 v5, $0x8  }
0x55: {  	v9 =	vshll.u32 v5, $0x7;
	v10 =	vadd.s32 $0x1, v5;
	v8 =	vand.u32 $0xFFFFF800, v8  }
0x56: {  	v9 =	vand.u32 $0x380, v9;
	v11 =	vshll.u32 v10, $0x8;
	v10 =	vshll.u32 v10, $0x7  }
0x57: {  	v8 =	vor.u32 v8, v9;
	v56 =	vand.u32 $0xFFFFF800, v11;
	v10 =	vand.u32 $0x380, v10  }
0x58: {  	v57 =	vcvt.s32.f32 v5;
	v8 =	vor.u32 v6, v8;
	v9 =	vor.u32 v56, v10  }
0x59: {  	v8 =	vor.u32 v7, v8;
	v6 =	vor.u32 v6, v9  }
0x5a: {  	v4 =	vsub.f32 v4, v57;
	v6 =	vor.u32 v7, v6;
	_ =	sdelay $0x1  }
0x5b: {  	v7 =	vsub.f32 $1.000000000e+00, v4;
	_ =	sdelay $0x1  }
0x5c: {  	[tilespmem:v8+s12+$0x0] =	vst.idx.msk $0xffff, v7  }
0x5d: {  	s20 =	sadd.s32 $0x10, s20;
	s30 =	simm.s32 $0x0;
	[tilespmem:v6+s12+$0x0] =	vst.idx.msk $0xffff, v4  }
0x5e: {  	s31 =	sand.u32 $0xF0, s30;
	[tilespmem:s20+$0x0] =	vst v5  }
0x5f: {  	[hbm4b:s5+s15] =	stream.strided.scatter [tilespmem:s12], [sflag:$0x1], $0x4800, s16, s15, $0x38;
	[tilespmem:$0x11300] =	vst v63  }
0x60: {  	v4 =	vld [tilespmem:s31+$0x100];
	_ =	sdelay $0x4  }
0x61: {  	v4 =	vsub.f32 v4, v2;
	_ =	sdelay $0x1  }
0x62: {  	v4 =	vmul.f32 v4, v3;
	_ =	sdelay $0x1  }
0x63: {  	v5 =	vtrunc.f32 v4  }
0x64: {  	v6 =	vmov s30;
	v5 =	vcvt.f32.s32 v5  }
0x65: {  	v7 =	vor.u32 s30, v0;
	v6 =	vshll.u32 v6, $0x3  }
0x66: {  	v7 =	vand.u32 $0x7F, v7;
	v6 =	vand.u32 $0x400, v6;
	v58 =	vshll.u32 v5, $0x8  }
0x67: {  	v59 =	vshll.u32 v5, $0x7;
	v60 =	vadd.s32 $0x1, v5;
	v8 =	vand.u32 $0xFFFFF800, v58  }
0x68: {  	v9 =	vand.u32 $0x380, v59;
	v61 =	vshll.u32 v60, $0x8;
	v10 =	vshll.u32 v60, $0x7  }
0x69: {  	v8 =	vor.u32 v8, v9;
	v62 =	vand.u32 $0xFFFFF800, v61;
	v10 =	vand.u32 $0x380, v10  }
0x6a: {  	v63 =	vcvt.s32.f32 v5;
	v8 =	vor.u32 v6, v8;
	v9 =	vor.u32 v62, v10  }
0x6b: {  	v8 =	vor.u32 v7, v8;
	v6 =	vor.u32 v6, v9  }
0x6c: {  	v4 =	vsub.f32 v4, v63;
	v6 =	vor.u32 v7, v6;
	_ =	sdelay $0x1  }
0x6d: {  	v7 =	vsub.f32 $1.000000000e+00, v4;
	_ =	sdelay $0x1  }
0x6e: {  	[tilespmem:v8+s13+$0x0] =	vst.idx.msk $0xffff, v7  }
0x6f: {  	s21 =	simm.s32 $0x10;
	s20 =	simm.s32 $0x11100;
	[tilespmem:v6+s13+$0x0] =	vst.idx.msk $0xffff, v4  }
0x70: {  	s22 =	sand.u32 $0xF0, s21;
	[tilespmem:s20+$0x0] =	vst v5  }
0x71: {  	v4 =	vld [tilespmem:s22+$0x100]  }
0x72: {  	s22 =	simm.s32 $0x20  }
.LBB2_6:
0x73: {  	p0 =	sne.s32 s22, $0xF0;
	_ =	sdelay $0x2  }
0x74: {  	v4 =	vsub.f32 v4, v2;
	_ =	sdelay $0x1  }
0x75: {  	v4 =	vmul.f32 v4, v3;
	_ =	sdelay $0x1  }
0x76: {  	v5 =	vtrunc.f32 v4  }
0x77: {  	v6 =	vmov s21;
	v5 =	vcvt.f32.s32 v5  }
0x78: {  	v7 =	vor.u32 s21, v0;
	s21 =	smov.u32 s22;
	v6 =	vshll.u32 v6, $0x3  }
0x79: {  	v7 =	vand.u32 $0x7F, v7;
	v6 =	vand.u32 $0x400, v6;
	v8 =	vshll.u32 v5, $0x8  }
0x7a: {  	v9 =	vshll.u32 v5, $0x7;
	v10 =	vadd.s32 $0x1, v5;
	v8 =	vand.u32 $0xFFFFF800, v8  }
0x7b: {  	v9 =	vand.u32 $0x380, v9;
	v11 =	vshll.u32 v10, $0x8;
	v10 =	vshll.u32 v10, $0x7  }
0x7c: {  	v8 =	vor.u32 v8, v9;
	v9 =	vand.u32 $0xFFFFF800, v11;
	v10 =	vand.u32 $0x380, v10  }
0x7d: {  	v11 =	vcvt.s32.f32 v5;
	v8 =	vor.u32 v6, v8;
	v9 =	vor.u32 v9, v10  }
0x7e: {  	v8 =	vor.u32 v7, v8;
	v6 =	vor.u32 v6, v9  }
0x7f: {  	v4 =	vsub.f32 v4, v11;
	v6 =	vor.u32 v7, v6;
	_ =	sdelay $0x1  }
0x80: {  	v7 =	vsub.f32 $1.000000000e+00, v4;
	_ =	sdelay $0x1  }
.Ltmp2:
0x81: {  	[tilespmem:v8+s13+$0x0] =	vst.idx.msk $0xffff, v7;
	(pc) =	sbr.rel @p0 .LBB2_6-.Ltmp2, $4  }
0x82: {  	s20 =	sadd.s32 $0x10, s20;
	[tilespmem:v6+s13+$0x0] =	vst.idx.msk $0xffff, v4  }
0x83: {  	s23 =	sand.u32 $0xF0, s22;
	[tilespmem:s20+$0x0] =	vst v5  }
0x84: {  	v4 =	vld [tilespmem:s23+$0x100]  }
0x85: {  	s22 =	sadd.s32 $0x10, s22  }
0x86: {  	_ =	sdelay $0x2  }
0x87: {  	v4 =	vsub.f32 v4, v2;
	_ =	sdelay $0x1  }
0x88: {  	v4 =	vmul.f32 v4, v3;
	_ =	sdelay $0x1  }
0x89: {  	v5 =	vtrunc.f32 v4  }
0x8a: {  	v6 =	vmov s21;
	v5 =	vcvt.f32.s32 v5  }
0x8b: {  	v7 =	vor.u32 s21, v0;
	v6 =	vshll.u32 v6, $0x3  }
0x8c: {  	v7 =	vand.u32 $0x7F, v7;
	v6 =	vand.u32 $0x400, v6;
	v8 =	vshll.u32 v5, $0x8  }
0x8d: {  	v9 =	vshll.u32 v5, $0x7;
	v10 =	vadd.s32 $0x1, v5;
	v8 =	vand.u32 $0xFFFFF800, v8  }
0x8e: {  	v9 =	vand.u32 $0x380, v9;
	v11 =	vshll.u32 v10, $0x8;
	v10 =	vshll.u32 v10, $0x7  }
0x8f: {  	v8 =	vor.u32 v8, v9;
	v61 =	vand.u32 $0xFFFFF800, v11;
	v10 =	vand.u32 $0x380, v10  }
0x90: {  	v62 =	vcvt.s32.f32 v5;
	v8 =	vor.u32 v6, v8;
	v9 =	vor.u32 v61, v10  }
0x91: {  	v8 =	vor.u32 v7, v8;
	v6 =	vor.u32 v6, v9  }
0x92: {  	v4 =	vsub.f32 v4, v62;
	v6 =	vor.u32 v7, v6;
	_ =	sdelay $0x1  }
0x93: {  	v63 =	vsub.f32 $1.000000000e+00, v4;
	_ =	sdelay $0x1  }
0x94: {  	[tilespmem:v8+s13+$0x0] =	vst.idx.msk $0xffff, v63  }
0x95: {  	s20 =	sadd.s32 $0x10, s20;
	[tilespmem:v6+s13+$0x0] =	vst.idx.msk $0xffff, v4  }
0x96: {  	[tilespmem:s20+$0x0] =	vst v5;
	s20 =	simm.s32 $0x1  }
0x97: {  	[hbm4b:s7+s15] =	stream.strided.scatter [tilespmem:s13], [sflag:$0x2], $0x4800, s16, s15, $0x38;
	[tilespmem:$0x11300] =	vst v63  }
.LBB2_8:
0x98: {  	_ =	swait.ge [sflag:s17], $0x4800  }
0x99: {  	s21 =	sshll.u32 s20, $0x9;
	[sflag:s17] =	ssyncset.done $0x0  }
0x9a: {  	s22 =	simm.s32 $0x0;
	s23 =	simm.s32 $0x11000;
	[sflag:s17] =	ssyncadd.s32 $0xFFFFB800  }
.LBB2_9:
0x9b: {  	v4 =	vld [tilespmem:s23+$0x0];
	_ =	sdelay $0x2  }
0x9c: {  	v5 =	vmov s22  }
0x9d: {  	v5 =	vshll.u32 v5, $0x3  }
0x9e: {  	v7 =	vor.u32 s22, v0;
	v5 =	vand.u32 $0x400, v5;
	v6 =	vshll.u32 v4, $0x8  }
0x9f: {  	v8 =	vshll.u32 v4, $0x7;
	v4 =	vadd.s32 $0x1, v4;
	v6 =	vand.u32 $0xFFFFF800, v6  }
0xa0: {  	v8 =	vand.u32 $0x380, v8;
	v9 =	vshll.u32 v4, $0x8;
	v4 =	vshll.u32 v4, $0x7  }
0xa1: {  	v6 =	vor.u32 v6, v8;
	v57 =	vand.u32 $0xFFFFF800, v9;
	v4 =	vand.u32 $0x380, v4  }
0xa2: {  	v7 =	vand.u32 $0x7F, v7;
	v6 =	vor.u32 v5, v6;
	v4 =	vor.u32 v57, v4  }
0xa3: {  	v6 =	vor.u32 v7, v6;
	v4 =	vor.u32 v5, v4  }
0xa4: {  	v4 =	vor.u32 v7, v4;
	_ =	sdelay $0x2  }
0xa5: {  	s24 =	sand.u32 $0x80, s22  }
0xa6: {  	s25 =	sand.u32 $0x70, s22;
	s24 =	sadd.s32 s24, s21;
	[tilespmem:v6+s12+$0x0] =	vst.idx.msk $0xffff, v1  }
0xa7: {  	s24 =	sadd.s32 s25, s24;
	[tilespmem:v4+s12+$0x0] =	vst.idx.msk $0xffff, v1  }
0xa8: {  	v4 =	vld [tilespmem:s24+$0x0];
	_ =	sdelay $0x4  }
0xa9: {  	v4 =	vsub.f32 v4, v2;
	_ =	sdelay $0x1  }
0xaa: {  	v4 =	vmul.f32 v4, v3;
	_ =	sdelay $0x1  }
0xab: {  	v58 =	vtrunc.f32 v4  }
0xac: {  	v6 =	vcvt.f32.s32 v58;
	_ =	sdelay $0x1  }
0xad: {  	v59 =	vshll.u32 v6, $0x8  }
0xae: {  	v60 =	vshll.u32 v6, $0x7;
	v10 =	vadd.s32 $0x1, v6;
	v8 =	vand.u32 $0xFFFFF800, v59  }
0xaf: {  	v9 =	vand.u32 $0x380, v60;
	v11 =	vshll.u32 v10, $0x8;
	v10 =	vshll.u32 v10, $0x7  }
0xb0: {  	v8 =	vor.u32 v8, v9;
	v61 =	vand.u32 $0xFFFFF800, v11;
	v10 =	vand.u32 $0x380, v10  }
0xb1: {  	v62 =	vcvt.s32.f32 v6;
	v9 =	vor.u32 v61, v10;
	v8 =	vor.u32 v5, v8  }
0xb2: {  	v8 =	vor.u32 v7, v8;
	v5 =	vor.u32 v5, v9  }
0xb3: {  	v4 =	vsub.f32 v4, v62;
	v5 =	vor.u32 v7, v5  }
0xb4: {  	p0 =	sne.s32 s22, $0xF0  }
.Ltmp3:
0xb5: {  	v63 =	vsub.f32 $1.000000000e+00, v4;
	(pc) =	sbr.rel @p0 .LBB2_9-.Ltmp3, $4  }
0xb6: {  	_ = 	snop  }
0xb7: {  	[tilespmem:v8+s12+$0x0] =	vst.idx.msk $0xffff, v63  }
0xb8: {  	[tilespmem:v5+s12+$0x0] =	vst.idx.msk $0xffff, v4  }
0xb9: {  	s22 =	sadd.s32 $0x10, s22;
	[tilespmem:s23+$0x0] =	vst v6;
	s23 =	sadd.s32 $0x10, s23  }
0xba: {  	s22 =	sadd.s32 s21, s5  }
0xbb: {  	[hbm4b:s22+s15] =	stream.strided.scatter [tilespmem:s12], [sflag:$0x1], $0x4800, s16, s15, $0x38;
	[tilespmem:$0x11300] =	vst v63  }
0xbc: {  	_ =	swait.ge [sflag:s18], $0x4800  }
0xbd: {  	s21 =	sor.u32 $0x100, s21;
	[sflag:s18] =	ssyncset.done $0x0  }
0xbe: {  	s23 =	simm.s32 $0x11100;
	s22 =	simm.s32 $0x0;
	[sflag:s18] =	ssyncadd.s32 $0xFFFFB800  }
.LBB2_11:
0xbf: {  	v4 =	vld [tilespmem:s23+$0x0];
	_ =	sdelay $0x2  }
0xc0: {  	v5 =	vmov s22  }
0xc1: {  	v5 =	vshll.u32 v5, $0x3  }
0xc2: {  	v7 =	vor.u32 s22, v0;
	v5 =	vand.u32 $0x400, v5;
	v6 =	vshll.u32 v4, $0x8  }
0xc3: {  	v8 =	vshll.u32 v4, $0x7;
	v4 =	vadd.s32 $0x1, v4;
	v6 =	vand.u32 $0xFFFFF800, v6  }
0xc4: {  	v8 =	vand.u32 $0x380, v8;
	v9 =	vshll.u32 v4, $0x8;
	v4 =	vshll.u32 v4, $0x7  }
0xc5: {  	v6 =	vor.u32 v6, v8;
	v57 =	vand.u32 $0xFFFFF800, v9;
	v4 =	vand.u32 $0x380, v4  }
0xc6: {  	v7 =	vand.u32 $0x7F, v7;
	v6 =	vor.u32 v5, v6;
	v4 =	vor.u32 v57, v4  }
0xc7: {  	v6 =	vor.u32 v7, v6;
	v4 =	vor.u32 v5, v4  }
0xc8: {  	v4 =	vor.u32 v7, v4;
	_ =	sdelay $0x2  }
0xc9: {  	s24 =	sand.u32 $0x80, s22  }
0xca: {  	s25 =	sand.u32 $0x70, s22;
	s24 =	sadd.s32 s24, s21;
	[tilespmem:v6+s13+$0x0] =	vst.idx.msk $0xffff, v1  }
0xcb: {  	s24 =	sadd.s32 s25, s24;
	[tilespmem:v4+s13+$0x0] =	vst.idx.msk $0xffff, v1  }
0xcc: {  	v4 =	vld [tilespmem:s24+$0x0];
	_ =	sdelay $0x4  }
0xcd: {  	v4 =	vsub.f32 v4, v2;
	_ =	sdelay $0x1  }
0xce: {  	v4 =	vmul.f32 v4, v3;
	_ =	sdelay $0x1  }
0xcf: {  	v58 =	vtrunc.f32 v4  }
0xd0: {  	v6 =	vcvt.f32.s32 v58;
	_ =	sdelay $0x1  }
0xd1: {  	v59 =	vshll.u32 v6, $0x8  }
0xd2: {  	v60 =	vshll.u32 v6, $0x7;
	v10 =	vadd.s32 $0x1, v6;
	v8 =	vand.u32 $0xFFFFF800, v59  }
0xd3: {  	v9 =	vand.u32 $0x380, v60;
	v11 =	vshll.u32 v10, $0x8;
	v10 =	vshll.u32 v10, $0x7  }
0xd4: {  	v8 =	vor.u32 v8, v9;
	v61 =	vand.u32 $0xFFFFF800, v11;
	v10 =	vand.u32 $0x380, v10  }
0xd5: {  	v62 =	vcvt.s32.f32 v6;
	v9 =	vor.u32 v61, v10;
	v8 =	vor.u32 v5, v8  }
0xd6: {  	v8 =	vor.u32 v7, v8;
	v5 =	vor.u32 v5, v9  }
0xd7: {  	v4 =	vsub.f32 v4, v62;
	v5 =	vor.u32 v7, v5  }
0xd8: {  	p0 =	sne.s32 s22, $0xF0  }
.Ltmp4:
0xd9: {  	v63 =	vsub.f32 $1.000000000e+00, v4;
	(pc) =	sbr.rel @p0 .LBB2_11-.Ltmp4, $4  }
0xda: {  	_ = 	snop  }
0xdb: {  	[tilespmem:v8+s13+$0x0] =	vst.idx.msk $0xffff, v63  }
0xdc: {  	[tilespmem:v5+s13+$0x0] =	vst.idx.msk $0xffff, v4  }
0xdd: {  	s22 =	sadd.s32 $0x10, s22;
	[tilespmem:s23+$0x0] =	vst v6;
	s23 =	sadd.s32 $0x10, s23  }
0xde: {  	s20 =	sadd.s32 $0x1, s20  }
0xdf: {  	p0 =	sne.s32 s20, $0x40  }
.Ltmp5:
0xe0: {  	_ = 	snop;
	(pc) =	sbr.rel @p0 .LBB2_8-.Ltmp5, $3  }
0xe1: {  	_ =	sdelay $0x1  }
0xe2: {  	s21 =	sadd.s32 s21, s5  }
0xe3: {  	[hbm4b:s21+s15] =	stream.strided.scatter [tilespmem:s13], [sflag:$0x2], $0x4800, s16, s15, $0x38;
	[tilespmem:$0x11300] =	vst v63  }
0xe4: {  	s19 =	sadd.s32 $0x1, s19  }
0xe5: {  	_ =	swait.ge [sflag:s17], $0x4800;
	p0 =	sne.s32 s19, s8  }
.Ltmp6:
0xe6: {  	[sflag:s17] =	ssyncset.done $0x0;
	(pc) =	sbr.rel @p0 .LBB2_1-.Ltmp6, $4  }
0xe7: {  	[sflag:s17] =	ssyncadd.s32 $0xFFFFB800  }
0xe8: {  	_ =	swait.ge [sflag:s18], $0x4800  }
0xe9: {  	[sflag:s18] =	ssyncset.done $0x0  }
0xea: {  	[sflag:s18] =	ssyncadd.s32 $0xFFFFB800  }
0xeb: {  	_ =	sfence.sel $0x180000  }
0xec: {  	[bflag:$0x0] =	sbarrier.arrive $0xFFFF  }
0xed: {  	p0 =	sne.s32 s3, $0x0;
	_ =	strace $0x90000047  }
0xee: {  	s0 =	sadd.s32 @!p0 $0x100000, s0;
	[bflag:$0x2] =	sbarrier.arrive $0xFFFF  }
0xef: {  	[sflag:s0] =	ssyncadd.tile.s32 @!p0 $0x1;
	_ =	shalt  }
.Lfunc_end2:
_tile_overlayer_lowered:
.L_overlay_start_2:
0xf0: {  	(tag) =	ssettag $0x2  }
0xf1: {  	s0 =	rddreg [dreg:$0x0];
	s2 =	stileid.u32  }
0xf2: {  	s1 =	rddreg [dreg:$0x1];
	p0 =	sne.s32 s2, $0x0  }
0xf3: {  	s3 =	rddreg [dreg:$0x2];
	[bflag:$0x3] =	sbarrier.arrive $0xFFFF;
	s2 =	simm.s32 @!p0 $0x1C04  }
0xf4: {  	[timem:s3], [sflag:s2] =	dma.local @!p0 [hbm:s0], s1  }
0xf5: {  	s0 =	simm.s32 @!p0 $0x4  }
0xf6: {  	_ =	swait.ge @!p0 [sflag:s0], s1  }
0xf7: {  	s1 =	ssub.s32 @!p0 $0x0, s1;
	[sflag:s0] =	ssyncset.done @!p0 $0x0  }
0xf8: {  	[sflag:s0] =	ssyncadd.s32 @!p0 s1  }
0xf9: {  	[bflag:$0x3] =	sbarrier.arrive $0xFFFF  }
0xfa: {  	_ =	shalt  }

</sc_bundles>
